<compile_context>
chip_gen: v7x
topology: tpu7x:2x2x1
jax: 0.10.2.dev20260603
libtpu: 0.0.44.dev20260713+nightly
codegen_flags: <defaults>
</compile_context>

<pallas_src>
import functools

import jax
import jax.numpy as jnp
from jax import lax
from jax.experimental import pallas as pl
from jax.experimental.pallas import tpu as pltpu
from jax.experimental.pallas import tpu_sc as plsc

_NUM_WORKERS = 32



@functools.partial(jax.jit, static_argnames=("wg",))
def _sc_gather(table, idx, wg=1000):
    m = idx.shape[0]
    d = table.shape[1]
    per_w = m // _NUM_WORKERS
    mesh = plsc.VectorSubcoreMesh(core_axis_name="c", subcore_axis_name="s")

    @functools.partial(
        pl.kernel, mesh=mesh,
        out_type=jax.ShapeDtypeStruct((m, d), jnp.float32),
        compiler_params=pltpu.CompilerParams(use_tc_tiling_on_sc=False),
        scratch_types=[
            pltpu.VMEM((wg,), jnp.int32),
            pltpu.VMEM((wg, d), jnp.float32),
            pltpu.SemaphoreType.DMA,
        ],
    )
    def k(table_hbm, idx_hbm, out_hbm, idx_v, rows_v, sem):
        wid = lax.axis_index("s") * 2 + lax.axis_index("c")
        base = wid * per_w

        def body(j, carry):
            b = base + j * wg
            pltpu.sync_copy(idx_hbm.at[pl.ds(b, wg)], idx_v)
            pltpu.async_copy(table_hbm.at[idx_v], rows_v, sem).wait()
            pltpu.sync_copy(rows_v, out_hbm.at[pl.ds(b, wg)])
            return carry

        lax.fori_loop(0, per_w // wg, body, 0)

    return k(table, idx)


def _pick_block(n, candidates=(2000, 1000, 500, 250, 100, 50, 25, 8, 4, 2, 1)):
    for c in candidates:
        if n % c == 0:
            return c
    return 1



def _embed_body(x_ref, w_ref, b_ref, ew_ref, o_ref):
    y = jnp.dot(x_ref[...], w_ref[...], preferred_element_type=jnp.float32)
    y = y + b_ref[...]
    col = lax.broadcasted_iota(jnp.int32, y.shape, 1)
    o_ref[...] = jnp.where(col == y.shape[1] - 1, ew_ref[...], y)


def _embed(elem_fea, w32, b32, elem_weights):
    n, emb = elem_fea.shape
    d = w32.shape[1]
    blk = _pick_block(n)
    return pl.pallas_call(
        _embed_body,
        grid=(n // blk,),
        in_specs=[
            pl.BlockSpec((blk, emb), lambda i: (i, 0)),
            pl.BlockSpec((emb, d), lambda i: (0, 0)),
            pl.BlockSpec((1, d), lambda i: (0, 0)),
            pl.BlockSpec((blk, 1), lambda i: (i, 0)),
        ],
        out_specs=pl.BlockSpec((blk, d), lambda i: (i, 0)),
        out_shape=jax.ShapeDtypeStruct((n, d), jnp.float32),
    )(elem_fea, w32, b32, elem_weights)



def _gm_body(fs_ref, fn_ref, nw_ref, w1a_ref, b1_ref,
             w2g_ref, b2g_ref, w2m_ref, b2m_ref, e_ref, p16_ref,
             av_ref):
    pair = jnp.concatenate([fs_ref[...], fn_ref[...]], axis=1)
    h = jnp.dot(pair, w1a_ref[...], preferred_element_type=jnp.float32)
    h = jnp.maximum(h + b1_ref[...], 0.0)
    g = jnp.dot(h, w2g_ref[...], preferred_element_type=jnp.float32) + b2g_ref[...]
    a = nw_ref[...][:, :1] * jnp.exp(g)
    mg = jnp.dot(h, w2m_ref[...], preferred_element_type=jnp.float32) + b2m_ref[...]
    aexp = jnp.dot(a, e_ref[...], preferred_element_type=jnp.float32)
    a16 = jnp.dot(a, p16_ref[...], preferred_element_type=jnp.float32)
    av_ref[...] = jnp.concatenate([a16, aexp * mg], axis=1)


def _gate_msg(fs, fn, nw, w1a, w1b, b1, w2g, b2g, w2m, b2m, expand):
    r, din = fs.shape
    hid = w1a.shape[1]
    nh = w2g.shape[1]
    dm = w2m.shape[1]
    p16 = jnp.zeros((nh, 16), jnp.float32)
    for i in range(nh):
        p16 = p16.at[i, i].set(1.0)
    w1cat = jnp.concatenate([w1a, w1b], axis=0)
    blk = _pick_block(r)
    full = lambda i: (0, 0)
    return pl.pallas_call(
        _gm_body,
        grid=(r // blk,),
        in_specs=[
            pl.BlockSpec((blk, din), lambda i: (i, 0)),
            pl.BlockSpec((blk, din), lambda i: (i, 0)),
            pl.BlockSpec((blk, 16), lambda i: (i, 0)),
            pl.BlockSpec((2 * din, hid), full),
            pl.BlockSpec((1, hid), full),
            pl.BlockSpec((hid, nh), full),
            pl.BlockSpec((1, nh), full),
            pl.BlockSpec((hid, dm), full),
            pl.BlockSpec((1, dm), full),
            pl.BlockSpec((nh, dm), full),
            pl.BlockSpec((nh, 16), full),
        ],
        out_specs=pl.BlockSpec((blk, 16 + dm), lambda i: (i, 0)),
        out_shape=jax.ShapeDtypeStruct((r, 16 + dm), jnp.float32),
    )(fs, fn, nw, w1cat, b1, w2g, b2g, w2m, b2m, expand, p16)



_NV = 640
_EB = 256


@functools.partial(jax.jit, static_argnames=("nseg",))
def _sc_segsum(ev, idx, bounds, nseg):
    m, w = ev.shape
    nchunk_real = -(-nseg // _NV)
    rounds = -(-nchunk_real // _NUM_WORKERS)
    nchunk = rounds * _NUM_WORKERS
    npad = nchunk * _NV
    ncg = w // 16
    mesh = plsc.VectorSubcoreMesh(core_axis_name="c", subcore_axis_name="s")

    @functools.partial(
        pl.kernel, mesh=mesh,
        out_type=jax.ShapeDtypeStruct((npad, w), jnp.float32),
        compiler_params=pltpu.CompilerParams(use_tc_tiling_on_sc=False),
        scratch_types=[
            pltpu.VMEM((_NV + 8, w), jnp.float32),
            pltpu.VMEM((_EB, w), jnp.float32),
            pltpu.VMEM((_EB + 16,), jnp.int32),
            pltpu.VMEM((len(bounds),), jnp.int32),
        ],
    )
    def k(ev_hbm, idx_hbm, bnd_hbm, out_hbm, acc_v, ev_v, idx_v, bnd_v):
        wid = lax.axis_index("s") * 2 + lax.axis_index("c")
        pltpu.sync_copy(bnd_hbm, bnd_v)
        zeros16 = jnp.zeros((16,), jnp.float32)

        def round_body(r, carry):
            ck = r * _NUM_WORKERS + wid
            nb = ck * _NV
            bv = bnd_v[pl.ds(ck, 16)]
            e0 = bv[0]
            e1 = bv[1]

            def zrow(i, c):
                for cg in range(ncg):
                    acc_v[i, pl.ds(cg * 16, 16)] = zeros16
                return c
            lax.fori_loop(0, _NV + 8, zrow, 0)

            wb0 = e0 - (e0 & 7)
            nwin = (e1 - wb0 + _EB - 1) // _EB

            def win(j, c):
                s = wb0 + j * _EB
                bc = pl.multiple_of(jnp.minimum(s, m - _EB), 8)
                lo = s - bc
                pltpu.sync_copy(ev_hbm.at[pl.ds(bc, _EB)], ev_v)
                pltpu.sync_copy(idx_hbm.at[pl.ds(bc, _EB)], idx_v.at[pl.ds(0, _EB)])

                def edge(e, c2):
                    lr = idx_v[pl.ds(e, 16)][0] - nb
                    oob = (lr < 0) | (lr >= _NV) | (e < lo)
                    lr = jnp.where(oob, _NV, lr)
                    for cg in range(ncg):
                        v = ev_v[e, pl.ds(cg * 16, 16)]
                        plsc.addupdate(acc_v.at[lr, pl.ds(cg * 16, 16)], v)
                    return c2
                lax.fori_loop(0, _EB, edge, 0, unroll=8)
                return c
            lax.fori_loop(0, nwin, win, 0)
            pltpu.sync_copy(acc_v.at[pl.ds(0, _NV)], out_hbm.at[pl.ds(nb, _NV)])
            return carry

        lax.fori_loop(0, rounds, round_body, 0)

    return k(ev, idx, bounds)[:nseg]


def _seg_bounds(idx, nseg):
    nchunk_real = -(-nseg // _NV)
    rounds = -(-nchunk_real // _NUM_WORKERS)
    nchunk = rounds * _NUM_WORKERS
    nb = nchunk + 16
    starts = jnp.arange(nb, dtype=jnp.int32) * _NV
    return jnp.searchsorted(idx, starts, side="left").astype(jnp.int32)



def _stack_heads(heads, din, split):
    hid = heads[0]["gate"]["hidden"][0][0].shape[1]
    nh = len(heads)
    dmsg = heads[0]["msg"]["out"][0].shape[1]
    w1a_parts, w1b_parts, b1_parts = [], [], []
    for h in heads:
        for net in (h["gate"], h["msg"]):
            w1, b1 = net["hidden"][0]
            w1a_parts.append(w1[:split])
            w1b_parts.append(w1[split:] if w1.shape[0] > split
                             else jnp.zeros((split, hid), jnp.float32))
            b1_parts.append(b1)
    order = []
    for i in range(nh):
        order.append(2 * i)
    for i in range(nh):
        order.append(2 * i + 1)
    w1a = jnp.concatenate([w1a_parts[i] for i in order], axis=1)
    w1b = jnp.concatenate([w1b_parts[i] for i in order], axis=1)
    b1 = jnp.concatenate([b1_parts[i] for i in order], axis=0)[None, :]

    tot = 2 * nh * hid
    w2g = jnp.zeros((tot, nh), jnp.float32)
    b2g = jnp.zeros((1, nh), jnp.float32)
    w2m = jnp.zeros((tot, nh * dmsg), jnp.float32)
    b2m = jnp.zeros((1, nh * dmsg), jnp.float32)
    expand = jnp.zeros((nh, nh * dmsg), jnp.float32)
    for i, h in enumerate(heads):
        wg, bg = h["gate"]["out"]
        w2g = w2g.at[i * hid:(i + 1) * hid, i].set(wg[:, 0])
        b2g = b2g.at[0, i].set(bg[0])
        wm, bm = h["msg"]["out"]
        w2m = w2m.at[(nh + i) * hid:(nh + i + 1) * hid,
                     i * dmsg:(i + 1) * dmsg].set(wm)
        b2m = b2m.at[0, i * dmsg:(i + 1) * dmsg].set(bm)
        expand = expand.at[i, i * dmsg:(i + 1) * dmsg].set(1.0)
    return w1a, w1b, b1, w2g, b2g, w2m, b2m, expand


def _pool(av_seg, nh, dmsg):
    r = av_seg.shape[0]
    num = av_seg[:, 16:].reshape(r, nh, dmsg)
    den = av_seg[:, :nh, None]
    return jnp.mean(num / (den + 1e-10), axis=1)



def kernel(elem_weights, elem_fea, self_fea_idx, nbr_fea_idx, cry_elem_idx,
           V_window, rate, cycle, Vii, params):
    n = elem_fea.shape[0]
    m = self_fea_idx.shape[0]
    c = V_window.shape[0]

    w_emb, b_emb = params["emb"]
    d = w_emb.shape[1] + 1
    w32 = jnp.concatenate([w_emb, jnp.zeros((w_emb.shape[0], 1), jnp.float32)], axis=1)
    b32 = jnp.concatenate([b_emb, jnp.zeros((1,), jnp.float32)], axis=0)[None, :]

    fea = _embed(elem_fea, w32, b32, elem_weights)

    we16 = jnp.broadcast_to(elem_weights, (n, 16))
    nw = _sc_gather(we16, nbr_fea_idx)
    nh = len(params["graphs"][0])
    dmsg = params["graphs"][0][0]["msg"]["out"][0].shape[1]

    self_bounds = _seg_bounds(self_fea_idx, n)
    cry_bounds = _seg_bounds(cry_elem_idx, c)

    for heads in params["graphs"]:
        w1a, w1b, b1, w2g, b2g, w2m, b2m, expand = _stack_heads(heads, 2 * d, d)
        fs = _sc_gather(fea, self_fea_idx)
        fn = _sc_gather(fea, nbr_fea_idx)
        av = _gate_msg(fs, fn, nw, w1a, w1b, b1, w2g, b2g, w2m, b2m, expand)
        av_seg = _sc_segsum(av, self_fea_idx, self_bounds, n)
        fea = fea + _pool(av_seg, nh, dmsg)

    w1a, w1b, b1, w2g, b2g, w2m, b2m, expand = _stack_heads(params["cry"], d, d)
    av = _gate_msg(fea, fea, we16, w1a, w1b, b1,
                   w2g, b2g, w2m, b2m, expand)
    av_seg = _sc_segsum(av, cry_elem_idx, cry_bounds, c)
    cry_fea = _pool(av_seg, nh, dmsg)
    return (cry_fea, fea)

# --- scband reference (transcript-rebuilt; emitter-appended) ---
"""Pipeline reference for scband-drxnet-17214228922616 (READ-ONLY COPY).

The authoritative reference and input builder live on the scoring server;
editing this copy changes nothing except your own understanding.
"""

import jax, jax.numpy as jnp
import numpy as np

N = 50000
M = 800000
C = 6250
EMB = 200
D = 32
HID = 64
N_GRAPH = 3
N_HEADS = 3


def _linear_params(key, din, dout):
    k1, k2 = jax.random.split(key)
    W = jax.random.normal(k1, (din, dout), jnp.float32) * 0.05
    b = jax.random.normal(k2, (dout,), jnp.float32) * 0.05
    return (W, b)


def _simple_net_params(key, din, dout, hidden):
    keys = jax.random.split(key, len(hidden) + 1)
    dims = [din] + list(hidden)
    hid = [_linear_params(keys[i], dims[i], dims[i + 1]) for i in range(len(hidden))]
    out = _linear_params(keys[-1], dims[-1], dout)
    return {"hidden": hid, "out": out}


def _simple_net(p, x):
    # SimpleNetwork: hidden Linear+ReLU layers, then Linear out (no act)
    for (W, b) in p["hidden"]:
        x = jax.nn.relu(x @ W + b)
    W, b = p["out"]
    return x @ W + b


def _wap(gate_p, msg_p, x, index, weights, num_segments, weight_pow=1.0):
    # WeightedAttentionPooling (Roost-style): segment softmax weighted by weights**pow
    gate = _simple_net(gate_p, x)  # (M, 1)
    smax = jax.ops.segment_max(gate, index, num_segments=num_segments)
    gate = gate - smax[index]
    gate = (weights ** weight_pow) * jnp.exp(gate)
    denom = jax.ops.segment_sum(gate, index, num_segments=num_segments)
    gate = gate / (denom[index] + 1e-10)
    fea = _simple_net(msg_p, x)
    return jax.ops.segment_sum(gate * fea, index, num_segments=num_segments)


def _descriptor_forward(params, elem_weights, elem_fea, self_fea_idx, nbr_fea_idx, cry_elem_idx):
    W, b = params["emb"]
    fea = elem_fea @ W + b                                   # (N, D-1)
    fea = jnp.concatenate([fea, elem_weights], axis=1)       # (N, D)
    for heads in params["graphs"]:
        nbr_w = elem_weights[nbr_fea_idx]                    # (M, 1)
        pair = jnp.concatenate([fea[self_fea_idx], fea[nbr_fea_idx]], axis=1)  # (M, 2D)
        head_out = [_wap(h["gate"], h["msg"], pair, self_fea_idx, nbr_w, N) for h in heads]
        fea = jnp.mean(jnp.stack(head_out), axis=0) + fea
    head_out = [_wap(h["gate"], h["msg"], fea, cry_elem_idx, elem_weights, C) for h in params["cry"]]
    cry_fea = jnp.mean(jnp.stack(head_out), axis=0)          # (C, D)
    return cry_fea, fea


def setup_inputs(seed: int = 0):
    key = jax.random.key(seed)
    ks = jax.random.split(key, 12)
    elem_weights = jax.random.uniform(ks[0], (N, 1), jnp.float32)
    elem_fea = jax.random.normal(ks[1], (N, EMB), jnp.float32)
    self_fea_idx = jnp.sort(jax.random.randint(ks[2], (M,), 0, N))
    nbr_fea_idx = jax.random.randint(ks[3], (M,), 0, N)
    cry_elem_idx = jnp.sort(jax.random.randint(ks[4], (N,), 0, C))
    V_window = jax.random.uniform(ks[5], (C, 2), jnp.float32)
    rate = jax.random.uniform(ks[6], (C, 1), jnp.float32)
    cycle = jax.random.uniform(ks[7], (C, 1), jnp.float32)
    Vii = jax.random.uniform(ks[8], (C, 1), jnp.float32)

    pk = jax.random.split(ks[9], 1 + N_GRAPH * N_HEADS * 2 + N_HEADS * 2)
    params = {}
    params["emb"] = _linear_params(pk[0], EMB, D - 1)
    i = 1
    graphs = []
    for _g in range(N_GRAPH):
        heads = []
        for _h in range(N_HEADS):
            gate_p = _simple_net_params(pk[i], 2 * D, 1, [HID]); i += 1
            msg_p = _simple_net_params(pk[i], 2 * D, D, [HID]); i += 1
            heads.append({"gate": gate_p, "msg": msg_p})
        graphs.append(heads)
    params["graphs"] = graphs
    cry = []
    for _h in range(N_HEADS):
        gate_p = _simple_net_params(pk[i], D, 1, [HID]); i += 1
        msg_p = _simple_net_params(pk[i], D, D, [HID]); i += 1
        cry.append({"gate": gate_p, "msg": msg_p})
    params["cry"] = cry

    return {"elem_weights": elem_weights, "elem_fea": elem_fea,
            "self_fea_idx": self_fea_idx, "nbr_fea_idx": nbr_fea_idx,
            "cry_elem_idx": cry_elem_idx, "V_window": V_window,
            "rate": rate, "cycle": cycle, "Vii": Vii, "params": params}


def reference(elem_weights, elem_fea, self_fea_idx, nbr_fea_idx, cry_elem_idx,
              V_window, rate, cycle, Vii, params):
    # Faithful translation of DescriptorNetwork (the fully-defined GNN message
    # passing core of DRXNet). V_window/rate/cycle/Vii feed the truncated
    # conditioning head and are accepted but unused here.
    cry_fea, elem_fea_out = _descriptor_forward(
        params, elem_weights, elem_fea, self_fea_idx, nbr_fea_idx, cry_elem_idx)
    return (cry_fea, elem_fea_out)

if __name__ == "__main__":
    import jax
    _d = setup_inputs()
    print(jax.jit(kernel)(*tuple(_d.values())))

</pallas_src>

<mosaic_0001>
#map = affine_map<(d0, d1) -> (0, 0)>
#map1 = affine_map<(d0, d1) -> (0)>
module attributes {stable_mosaic.version = 14 : i64} {
  func.func @k(%arg0: i32, %arg1: i32, %arg2: memref<50000x16xf32, #tpu.memory_space<hbm>>, %arg3: memref<800000xi32, #tpu.memory_space<hbm>>, %arg4: memref<800000x16xf32, #tpu.memory_space<hbm>>, %arg5: memref<1000xi32, #tpu.memory_space<vmem>>, %arg6: memref<1000x16xf32, #tpu.memory_space<vmem>>, %arg7: memref<!tpu.dma_semaphore, #tpu.memory_space<semaphore_mem>>) attributes {dimension_semantics = [#tpu.dimension_semantics<core_parallel>, #tpu.dimension_semantics<subcore_parallel>], iteration_bounds = array<i64: 2, 16>, scalar_prefetch = 0 : i64, scratch_operands = 3 : i64, tpu.core_type = #tpu.core_type<sc_vector_subcore>, window_params = [{transform_indices = #map}, {transform_indices = #map1}, {transform_indices = #map}]} {
    %mul3A = arith.constant 2 : i32
    %mul3A_0 = arith.muli %arg1, %mul3A : i32
    %add3A = arith.addi %mul3A_0, %arg0 : i32
    %mul3A_1 = arith.constant 25000 : i32
    %mul3A_2 = arith.muli %add3A, %mul3A_1 : i32
    %scan3A = arith.constant 0 : i32
    %scan3A_3 = arith.constant 0 : i32
    %scan3A_4 = arith.constant 25 : i32
    %scan3A_5 = arith.addi %scan3A_3, %scan3A_4 : i32
    %scan3A_6 = arith.constant 1 : i32
    scf.for %scan3A_8 = %scan3A_3 to %scan3A_5 step %scan3A_6  : i32 {
      %mul3A_9 = arith.constant 1000 : i32
      %mul3A_10 = arith.muli %scan3A_8, %mul3A_9 : i32
      %add3A_11 = arith.addi %mul3A_2, %mul3A_10 : i32
      "tpu.region"() ({
        %run_scoped3A = tpu.sem_alloc : memref<!tpu.dma_semaphore, #tpu.memory_space<semaphore_mem>>
        %dma_start3A_16 = tpu.memref_slice %arg3[%add3A_11] : memref<800000xi32, #tpu.memory_space<hbm>> -> memref<1000xi32, #tpu.memory_space<hbm>>
        %dma_start3A_17 = tpu.memref_slice %arg3[%add3A_11] : memref<800000xi32, #tpu.memory_space<hbm>> -> memref<1000xi32, #tpu.memory_space<hbm>>
        tpu.enqueue_dma source(%dma_start3A_17 : memref<1000xi32, #tpu.memory_space<hbm>>) target(%arg5 : memref<1000xi32, #tpu.memory_space<vmem>>) target_semaphore(%run_scoped3A : memref<!tpu.dma_semaphore, #tpu.memory_space<semaphore_mem>>)
        %dma_wait3A_18 = tpu.memref_slice %arg3[%add3A_11] : memref<800000xi32, #tpu.memory_space<hbm>> -> memref<1000xi32, #tpu.memory_space<hbm>>
        %dma_wait3A_19 = tpu.memref_slice %arg3[%add3A_11] : memref<800000xi32, #tpu.memory_space<hbm>> -> memref<1000xi32, #tpu.memory_space<hbm>>
        tpu.wait_dma2 semaphore(%run_scoped3A : memref<!tpu.dma_semaphore, #tpu.memory_space<semaphore_mem>>) src(%dma_wait3A_19 : memref<1000xi32, #tpu.memory_space<hbm>>) dst(%arg5 : memref<1000xi32, #tpu.memory_space<vmem>>)
        tpu.yield
      }) : () -> ()
      %dma_start3A = arith.constant 0 : i32
      %dma_start3A_12 = arith.constant 0 : i32
      %dma_start3A_13 = tpu.memref_slice %arg2[%dma_start3A, %dma_start3A_12] : memref<50000x16xf32, #tpu.memory_space<hbm>> -> memref<50000x16xf32, #tpu.memory_space<hbm>>
      tpu.enqueue_indirect_dma source(%dma_start3A_13 : memref<50000x16xf32, #tpu.memory_space<hbm>>) target(%arg6 : memref<1000x16xf32, #tpu.memory_space<vmem>>) offsets(%arg5 : memref<1000xi32, #tpu.memory_space<vmem>>) semaphore(%arg7 : memref<!tpu.dma_semaphore, #tpu.memory_space<semaphore_mem>>)
      %dma_wait3A = arith.constant 0 : i32
      %dma_wait3A_14 = arith.constant 0 : i32
      %dma_wait3A_15 = tpu.memref_slice %arg2[%dma_wait3A, %dma_wait3A_14] : memref<50000x16xf32, #tpu.memory_space<hbm>> -> memref<50000x16xf32, #tpu.memory_space<hbm>>
      tpu.wait_indirect_dma semaphore(%arg7 : memref<!tpu.dma_semaphore, #tpu.memory_space<semaphore_mem>>) src(%dma_wait3A_15 : memref<50000x16xf32, #tpu.memory_space<hbm>>) dst(%arg6 : memref<1000x16xf32, #tpu.memory_space<vmem>>)
      "tpu.region"() ({
        %run_scoped3A = tpu.sem_alloc : memref<!tpu.dma_semaphore, #tpu.memory_space<semaphore_mem>>
        %dma_start3A_16 = arith.constant 0 : i32
        %dma_start3A_17 = tpu.memref_slice %arg4[%add3A_11, %dma_start3A_16] : memref<800000x16xf32, #tpu.memory_space<hbm>> -> memref<1000x16xf32, #tpu.memory_space<hbm>>
        %dma_start3A_18 = arith.constant 0 : i32
        %dma_start3A_19 = tpu.memref_slice %arg4[%add3A_11, %dma_start3A_18] : memref<800000x16xf32, #tpu.memory_space<hbm>> -> memref<1000x16xf32, #tpu.memory_space<hbm>>
        tpu.enqueue_dma source(%arg6 : memref<1000x16xf32, #tpu.memory_space<vmem>>) target(%dma_start3A_19 : memref<1000x16xf32, #tpu.memory_space<hbm>>) target_semaphore(%run_scoped3A : memref<!tpu.dma_semaphore, #tpu.memory_space<semaphore_mem>>)
        %dma_wait3A_20 = arith.constant 0 : i32
        %dma_wait3A_21 = tpu.memref_slice %arg4[%add3A_11, %dma_wait3A_20] : memref<800000x16xf32, #tpu.memory_space<hbm>> -> memref<1000x16xf32, #tpu.memory_space<hbm>>
        %dma_wait3A_22 = arith.constant 0 : i32
        %dma_wait3A_23 = tpu.memref_slice %arg4[%add3A_11, %dma_wait3A_22] : memref<800000x16xf32, #tpu.memory_space<hbm>> -> memref<1000x16xf32, #tpu.memory_space<hbm>>
        tpu.wait_dma2 semaphore(%run_scoped3A : memref<!tpu.dma_semaphore, #tpu.memory_space<semaphore_mem>>) src(%arg6 : memref<1000x16xf32, #tpu.memory_space<vmem>>) dst(%dma_wait3A_23 : memref<1000x16xf32, #tpu.memory_space<hbm>>)
        tpu.yield
      }) : () -> ()
    }
    %scan3A_7 = arith.constant 25 : i32
    return
  }
}

</mosaic_0001>

<sc_bundles>
// kernel: _sc_gather.3.cloned.1.call-start
scs
__scs_entry_jumppad:
0x0: {  	(pc) =	sbr.rel $0x88, $3  }
0x1: {  	(tag) =	ssettag $0x0;
	lr =	simm.s32 $0x1  }
0x2: {  	[smem:$0x3F9F] =	sst lr;
	_ =	strace $0xD0000000  }
0x3: {  	_ = 	snop  }
0x4: {  	_ = 	snop  }
0x5: {  	_ = 	snop  }
0x6: {  	_ = 	snop  }
0x7: {  	_ = 	snop  }
__scs_overlays_trampoline_lowered:
0x8: {  	[smem:$0x3FAE] =	sst s0  }
0x9: {  	[smem:$0x3FAF] =	sst s1  }
0xa: {  	[smem:$0x3FB0] =	sst s2  }
0xb: {  	[smem:$0x3FB1] =	sst s3  }
0xc: {  	[smem:$0x3FB2] =	sst s4  }
0xd: {  	[smem:$0x3FB3] =	sst s5  }
0xe: {  	[smem:$0x3FB4] =	sst s6  }
0xf: {  	[smem:$0x3FB5] =	sst s7  }
0x10: {  	[smem:$0x3FB6] =	sst s8  }
0x11: {  	[smem:$0x3FB7] =	sst s9;
	s0 =	simm.s32 @!p0 $0x0  }
0x12: {  	s1 =	sld [smem:$0x3F9D];
	s0 =	simm.s32 @p0 $0x1  }
0x13: {  	[smem:$0x3FB8] =	sst s0;
	s0 =	simm.s32 @!p1 $0x0  }
0x14: {  	s2 =	sld [smem:$0x3F9C];
	s0 =	simm.s32 @p1 $0x1  }
0x15: {  	[smem:$0x3FB9] =	sst s0;
	s0 =	simm.s32 @!p2 $0x0  }
0x16: {  	s3 =	sld [smem:$0x3FDB];
	s0 =	simm.s32 @p2 $0x1  }
0x17: {  	s4 =	simm.s32 $0x1BF5;
	[smem:$0x3FBB] =	sst s0  }
0x18: {  	s0 =	sld [smem:$0x3F9E];
	_ =	swait.ge [sflag:s4], $0x0  }
0x19: {  	s7 =	sld [smem:$0x3F9F]  }
0x1a: {  	s8 =	sadd.s32 $0xFFFFE003, lr  }
0x1b: {  	s9 =	sadd.s32 $0xFFFFFEF7, lr;
	s5 =	simm.s32 $0xFFFFFFFF;
	p2 =	slt.u32 s8, $0xFFFFF086  }
0x1c: {  	p1 =	slt.u32 s9, $0xF7A;
	s5 =	simm.s32 @!p2 $0x0  }
0x1d: {  	s5 =	simm.s32 @p1 $0x1;
	p0 =	seq.s32 s7, s2  }
0x1e: {  	s7 =	smul.u32 @!p0 $0xF7A, s2;
	p2 =	seq.s32 @!p0 s5, $0x0  }
0x1f: {  	s9 =	smul.u32 $0xF7A, s1;
	s8 =	simm.s32 @!p0 $0x1BF5;
	p2 =	por !p2, p0  }
0x20: {  	[sflag:s8] =	ssyncset.s32 @!p0 $0xFFFFF086;
	s6 =	sadd.s32 @!p0 s3, s7;
	s7 =	simm.s32 @!p0 $0x108  }
0x21: {  	s3 =	sadd.s32 s3, s9;
	s6 =	sadd.s32 @!p0 $0x88, s6;
	s7 =	simm.s32 @p2 $0x1082  }
0x22: {  	[simem:s7], [sflag:s8] =	dma.local @!p0 [hbm:s6], $0xF7A  }
0x23: {  	s9 =	sor.u32 $0xD0000000, s2;
	s6 =	simm.s32 $0x108;
	_ =	swait.ge @!p0 [sflag:s8], $0x0  }
0x24: {  	s3 =	sadd.s32 $0x88, s3;
	s6 =	simm.s32 @!p1 $0x1082;
	[sflag:s4] =	ssyncset.s32 $0xFFFFF086  }
0x25: {  	[simem:s6], [sflag:s4] =	dma.local [hbm:s3], $0xF7A  }
0x26: {  	[smem:$0x3F9F] =	sst s1;
	(tag) =	ssettag s2;
	_ =	strace s9  }
0x27: {  	s1 =	sld [smem:$0x3FAF]  }
0x28: {  	s2 =	sld [smem:$0x3FB0]  }
0x29: {  	s4 =	sld [smem:$0x3FB2]  }
0x2a: {  	p0 =	seq.s32 s5, $0x0;
	s5 =	sld [smem:$0x3FB3]  }
0x2b: {  	s6 =	sld [smem:$0x3FB4]  }
0x2c: {  	s7 =	sld [smem:$0x3FB5]  }
0x2d: {  	s3 =	simm.s32 $0x108;
	s8 =	sld [smem:$0x3FB6]  }
0x2e: {  	s3 =	simm.s32 @!p0 $0x1082;
	s9 =	sld [smem:$0x3FB7]  }
0x2f: {  	lr =	sadd.s32 s0, s3;
	s0 =	sld [smem:$0x3FAE]  }
0x30: {  	s3 =	sld [smem:$0x3FB1]  }
0x31: {  	[smem:$0x3FBA] =	sst s10  }
0x32: {  	s10 =	sld [smem:$0x3FB8];
	_ =	sdelay $0x3  }
0x33: {  	p0 =	seq.s32 s10, $0x1;
	s10 =	sld [smem:$0x3FBA];
	_ =	sdelay $0x3  }
0x34: {  	[smem:$0x3FBA] =	sst s10  }
0x35: {  	s10 =	sld [smem:$0x3FB9];
	_ =	sdelay $0x3  }
0x36: {  	p1 =	seq.s32 s10, $0x1;
	s10 =	sld [smem:$0x3FBA];
	_ =	sdelay $0x3  }
0x37: {  	[smem:$0x3FBA] =	sst s10  }
0x38: {  	s10 =	sld [smem:$0x3FBB]  }
0x39: {  	_ = 	snop;
	(pc) =	sbr.ind lr, $3  }
0x3a: {  	_ = 	snop  }
0x3b: {  	_ = 	snop  }
0x3c: {  	p2 =	seq.s32 s10, $0x1;
	s10 =	sld [smem:$0x3FBA]  }
0x3d: {  	_ =	shalt  }
0x3e: {  	_ =	shalt  }
0x3f: {  	_ =	shalt  }
0x40: {  	_ =	shalt  }
0x41: {  	_ =	shalt  }
0x42: {  	_ =	shalt  }
0x43: {  	_ =	shalt  }
0x44: {  	_ =	shalt  }
0x45: {  	_ =	shalt  }
0x46: {  	_ =	shalt  }
0x47: {  	_ =	shalt  }
0x48: {  	_ =	shalt  }
0x49: {  	_ =	shalt  }
0x4a: {  	_ =	shalt  }
0x4b: {  	_ =	shalt  }
0x4c: {  	_ =	shalt  }
0x4d: {  	_ =	shalt  }
0x4e: {  	_ =	shalt  }
0x4f: {  	_ =	shalt  }
0x50: {  	_ =	shalt  }
0x51: {  	_ =	shalt  }
0x52: {  	_ =	shalt  }
0x53: {  	_ =	shalt  }
0x54: {  	_ =	shalt  }
0x55: {  	_ =	shalt  }
0x56: {  	_ =	shalt  }
0x57: {  	_ =	shalt  }
0x58: {  	_ =	shalt  }
0x59: {  	_ =	shalt  }
0x5a: {  	_ =	shalt  }
0x5b: {  	_ =	shalt  }
0x5c: {  	_ =	shalt  }
0x5d: {  	_ =	shalt  }
0x5e: {  	_ =	shalt  }
0x5f: {  	_ =	shalt  }
0x60: {  	_ =	shalt  }
0x61: {  	_ =	shalt  }
0x62: {  	_ =	shalt  }
0x63: {  	_ =	shalt  }
0x64: {  	_ =	shalt  }
0x65: {  	_ =	shalt  }
0x66: {  	_ =	shalt  }
0x67: {  	_ =	shalt  }
0x68: {  	_ =	shalt  }
0x69: {  	_ =	shalt  }
0x6a: {  	_ =	shalt  }
0x6b: {  	_ =	shalt  }
0x6c: {  	_ =	shalt  }
0x6d: {  	_ =	shalt  }
0x6e: {  	_ =	shalt  }
0x6f: {  	_ =	shalt  }
0x70: {  	_ =	shalt  }
0x71: {  	_ =	shalt  }
0x72: {  	_ =	shalt  }
0x73: {  	_ =	shalt  }
0x74: {  	_ =	shalt  }
0x75: {  	_ =	shalt  }
0x76: {  	_ =	shalt  }
0x77: {  	_ =	shalt  }
0x78: {  	_ =	shalt  }
0x79: {  	_ =	shalt  }
0x7a: {  	_ =	shalt  }
0x7b: {  	_ =	shalt  }
0x7c: {  	_ =	shalt  }
0x7d: {  	_ =	shalt  }
0x7e: {  	_ =	shalt  }
0x7f: {  	_ =	shalt  }
0x80: {  	_ =	shalt  }
0x81: {  	_ =	shalt  }
0x82: {  	_ =	shalt  }
0x83: {  	_ =	shalt  }
0x84: {  	_ =	shalt  }
0x85: {  	_ =	shalt  }
0x86: {  	_ =	shalt  }
0x87: {  	_ =	shalt  }
.Lfunc_end0:
.L_simem_size_0:
called_computation.1_lowered:
.L_overlay_start_0:
0x88: {  	s2 =	sld [smem:$0x3FD9]  }
0x89: {  	s3 =	sld [smem:$0x3FFE];
	_ =	sdelay $0x1  }
0x8a: {  	s1 =	srdreg.scid  }
0x8b: {  	s0 =	sand.u32 $0x1, s1  }
0x8c: {  	s17 =	sshll.u32 s0, $0xA;
	s2 =	sadd.s32 s3, s2  }
0x8d: {  	s2 =	sadd.s32 s2, s17  }
0x8e: {  	[smem:$0x3FC6] =	sst s2  }
0x8f: {  	_ = 	snop  }
0x90: {  	s2 =	sld [smem:$0x3FC8]  }
0x91: {  	s18 =	sld [smem:$0x3FD0];
	(tm) =	ssettm $0x1  }
0x92: {  	s4 =	sld [smem:$0x3FFB];
	_ =	sdelay $0x3  }
0x93: {  	_ =	strace s4  }
0x94: {  	s4 =	sld [smem:$0x3FFC];
	_ =	sdelay $0x3  }
0x95: {  	_ =	strace s4  }
0x96: {  	s4 =	sld [smem:$0x3FFD];
	_ =	sdelay $0x3  }
0x97: {  	_ =	strace s4  }
0x98: {  	_ =	strace $0x8FFFFFFF  }
0x99: {  	s19 =	sld [smem:$0x3FDB];
	_ =	sdelay $0x1  }
0x9a: {  	s5 =	simm.s32 $_scs_section_size  }
0x9b: {  	s6 =	simm.s32 $_size__tile_overlayer_lowered;
	s7 =	simm.s32 $_tile_overlayer_lowered  }
0x9c: {  	s22 =	simm.s32 $0x1BFF;
	s21 =	sshll.u32 s7, $0x1;
	s4 =	sadd.s32 s5, s19  }
0x9d: {  	s8 =	simm.s32 $0x0;
	s20 =	sshll.u32 s6, $0x1;
	s6 =	sadd.s32 s21, s4  }
0x9e: {  	[timem:s8], [sflag:s22] =	dma.local [hbm:s6], s20  }
0x9f: {  	_ =	swait.ge [sflag:s22], s20  }
0xa0: {  	s5 =	ssub.s32 $0x0, s20;
	[sflag:s22] =	ssyncset.done $0x0  }
0xa1: {  	[sflag:s22] =	ssyncadd.s32 s5;
	_ =	sdelay $0x1  }
0xa2: {  	s23 =	simm.s32 $0x1B8B  }
0xa3: {  	_ =	swait.ge [sflag:s23], $0x1  }
0xa4: {  	[sflag:s23] =	ssyncset.done $0x0  }
0xa5: {  	s25 =	simm.s32 $0x1B8E;
	s24 =	sld [smem:$0x3FFE];
	[sflag:s23] =	ssyncadd.s32 $0xFFFFFFFF  }
0xa6: {  	s26 =	simm.s32 $execute0_lowered;
	[smem:$0x3FD2] =	sst s25  }
0xa7: {  	s6 =	sshll.u32 s26, $0x1;
	_ =	strace $0x80000046;
	[dreg:$0x1] =	wrdreg $0xFFFFFFFF  }
0xa8: {  	s28 =	simm.s32 $_size_execute0_lowered;
	s4 =	sadd.s32 s4, s6;
	[dreg:$0x0] =	wrdreg $0x0  }
0xa9: {  	s6 =	sshll.u32 s28, $0x1;
	[dreg:$0x2] =	wrdreg s4  }
0xaa: {  	[dreg:$0x3] =	wrdreg s6  }
0xab: {  	[dreg:$0x4] =	wrdreg $0xC0  }
0xac: {  	_ =	task [dreg:s8], $0x5FFFF  }
0xad: {  	[dreg:$0x1] =	wrdreg $0xFFFFFFFF  }
0xae: {  	[dreg:$0x0] =	wrdreg $0x60  }
0xaf: {  	[dreg:$0x2] =	wrdreg s24  }
0xb0: {  	[dreg:$0x3] =	wrdreg s2  }
0xb1: {  	[dreg:$0x4] =	wrdreg s18  }
0xb2: {  	[dreg:$0x5] =	wrdreg $0x9  }
0xb3: {  	_ =	task.clear_ibuf [dreg:s8], $0x6FFFF;
	_ =	strace $0x90000046  }
0xb4: {  	s29 =	simm.s32 $0x9;
	_ =	strace $0x80000048  }
0xb5: {  	_ =	swait.ge [sflag:s29], $0x1  }
0xb6: {  	[sflag:s29] =	ssyncadd.s32 $0xFFFFFFFF  }
0xb7: {  	_ =	strace $0x90000048  }
0xb8: {  	_ =	sfence  }
0xb9: {  	s30 =	sld [smem:$0x0];
	_ =	sdelay $0x2  }
0xba: {  	s31 =	sshll.u32 s1, $0xD;
	s1 =	sshrl.u32 s1, $0x2  }
0xbb: {  	s3 =	sand.u32 $0x4000, s31;
	s1 =	sadd.s32 s1, s30  }
0xbc: {  	s0 =	sor.u32 s3, s0;
	s1 =	sshll.u32 s1, $0x11  }
0xbd: {  	s0 =	sor.u32 s1, s0  }
0xbe: {  	s0 =	sadd.s32 $0x8F2B, s0  }
0xbf: {  	[sflag:s0] =	ssyncadd.remote.s32 $0x1  }
0xc0: {  	_ =	sfence.sel $0xFFFF  }
0xc1: {  	[dreg:$0x0] =	wrdreg $0xFFFFFFFF;
	(pc) =	sbr.abs _section_cstart, $3  }
0xc2: {  	[dreg:$0x1] =	wrdreg $0xFFFFFFFF  }
0xc3: {  	_ =	task.clear_ibuf [dreg:s8], $0x2FFFF;
	_ =	strace $0x9FFFFFFF  }
0xc4: {  	(tm) =	ssettm $0x7FFFFFFF  }
0xc5: {  	_ =	shalt  }
tec
execute0_lowered:
.L_overlay_start_1:
0x0: {  	(tag) =	ssettag $0x1  }
0x1: {  	s3 =	rddreg [dreg:$0x0]  }
0x2: {  	s6 =	rddreg [dreg:$0x1]  }
0x3: {  	s5 =	rddreg [dreg:$0x2]  }
0x4: {  	s2 =	srdreg.scid;
	s1 =	stileid.u32  }
0x5: {  	s0 =	rddreg [dreg:$0x3];
	s8 =	smul.u32 $0xC350, s1  }
0x6: {  	s4 =	sand.u32 $0x1, s2;
	s2 =	simm.s32 $0x0;
	s30 =	smul.u32 $0x186A0, s1  }
0x7: {  	s3 =	sadd.s32 $0x800, s3;
	s7 =	ssub.s32 $0x2, s4;
	s10 =	smul.u32 $0x61A8, s4  }
0x8: {  	[smem:$0x7FF] =	sst s2;
	s11 =	smul.u32 $0xC350, s4;
	s9 =	sshrl.u32 s7, $0x1  }
0x9: {  	_ =	strace $0x80000047;
	s5 =	sadd.s32 s30, s5;
	s7 =	ssub.s32 s7, s9  }
0xa: {  	s8 =	sadd.s32 s10, s8;
	s5 =	sadd.s32 s11, s5;
	s9 =	simm.s32 $0x1  }
0xb: {  	s10 =	simm.s32 $0x0;
	s4 =	smax.u32 s7, $0x1;
	s31 =	sshrl.u32 s8, $0x3  }
0xc: {  	s7 =	simm.s32 $0x2;
	s8 =	simm.s32 $0x3E8;
	s6 =	sadd.s32 s31, s6  }
.LBB2_1:
0xd: {  	s11 =	sadd.s32 $0x0, s6  }
0xe: {  	[tilespmem:s2], [sflag:$0x2] =	stream.linear.gather [hbm4b:s11+s2], $0x3E8, $0x38;
	[tilespmem:$0x4268] =	vst v63  }
0xf: {  	_ =	swait.ge [sflag:s7], $0x3E8  }
0x10: {  	[sflag:s7] =	ssyncset.done $0x0  }
0x11: {  	[sflag:s7] =	ssyncadd.s32 $0xFFFFFC18  }
0x12: {  	[tilespmem:s8], [sflag:$0x1] =	stream.indirect.gather [hbm4b:s3+s8], $0x10, s2, s8, $0xb8;
	[tilespmem:$0x4268] =	vst v63  }
0x13: {  	_ =	swait.ge [sflag:s9], $0x3E80  }
0x14: {  	[sflag:s9] =	ssyncset.done $0x0  }
0x15: {  	[sflag:s9] =	ssyncadd.s32 $0xFFFFC180  }
0x16: {  	[hbm4b:s5+s2] =	stream.linear.scatter [tilespmem:s8], [sflag:$0x2], $0x3E80, $0x38;
	[tilespmem:$0x4268] =	vst v63  }
0x17: {  	s12 =	simm.s32 $0x7D;
	_ =	swait.ge [sflag:s7], $0x3E80  }
0x18: {  	s13 =	simm.s32 $0xFA;
	s11 =	sadd.s32 $0x7D0, s5;
	[sflag:s7] =	ssyncset.done $0x0  }
.LBB2_2:
0x19: {  	s14 =	sadd.s32 s12, s6  }
0x1a: {  	[sflag:s7] =	ssyncadd.s32 $0xFFFFC180;
	s12 =	smov.u32 s13;
	s15 =	sadd.s32 $0x7D, s13  }
0x1b: {  	[tilespmem:s2], [sflag:$0x2] =	stream.linear.gather [hbm4b:s14+s2], $0x3E8, $0x38;
	[tilespmem:$0x4268] =	vst v63  }
0x1c: {  	p0 =	sne.s32 s13, $0xBB8;
	_ =	swait.ge [sflag:s7], $0x3E8  }
0x1d: {  	[sflag:s7] =	ssyncset.done $0x0  }
0x1e: {  	[sflag:s7] =	ssyncadd.s32 $0xFFFFFC18  }
0x1f: {  	[tilespmem:s8], [sflag:$0x1] =	stream.indirect.gather [hbm4b:s3+s8], $0x10, s2, s8, $0xb8;
	[tilespmem:$0x4268] =	vst v63  }
0x20: {  	_ =	swait.ge [sflag:s9], $0x3E80  }
.Ltmp0:
0x21: {  	[sflag:s9] =	ssyncset.done $0x0;
	(pc) =	sbr.rel @p0 .LBB2_2-.Ltmp0, $4  }
0x22: {  	[sflag:s9] =	ssyncadd.s32 $0xFFFFC180  }
0x23: {  	[hbm4b:s11+s2] =	stream.linear.scatter [tilespmem:s8], [sflag:$0x2], $0x3E80, $0x38;
	[tilespmem:$0x4268] =	vst v63  }
0x24: {  	_ =	swait.ge [sflag:s7], $0x3E80  }
0x25: {  	s13 =	smov.u32 s15;
	s11 =	sadd.s32 $0x7D0, s11;
	[sflag:s7] =	ssyncset.done $0x0  }
0x26: {  	s12 =	sadd.s32 s12, s6;
	[sflag:s7] =	ssyncadd.s32 $0xFFFFC180  }
0x27: {  	[tilespmem:s2], [sflag:$0x2] =	stream.linear.gather [hbm4b:s12+s2], $0x3E8, $0x38;
	[tilespmem:$0x4268] =	vst v63  }
0x28: {  	_ =	swait.ge [sflag:s7], $0x3E8  }
0x29: {  	[sflag:s7] =	ssyncset.done $0x0  }
0x2a: {  	[sflag:s7] =	ssyncadd.s32 $0xFFFFFC18  }
0x2b: {  	[tilespmem:s8], [sflag:$0x1] =	stream.indirect.gather [hbm4b:s3+s8], $0x10, s2, s8, $0xb8;
	[tilespmem:$0x4268] =	vst v63  }
0x2c: {  	s10 =	sadd.s32 $0x1, s10;
	_ =	swait.ge [sflag:s9], $0x3E80  }
0x2d: {  	p0 =	sne.s32 s10, s4;
	[sflag:s9] =	ssyncset.done $0x0  }
.Ltmp1:
0x2e: {  	[sflag:s9] =	ssyncadd.s32 $0xFFFFC180;
	(pc) =	sbr.rel @p0 .LBB2_1-.Ltmp1, $4  }
0x2f: {  	[hbm4b:s11+s2] =	stream.linear.scatter [tilespmem:s8], [sflag:$0x2], $0x3E80, $0x38;
	[tilespmem:$0x4268] =	vst v63  }
0x30: {  	_ =	swait.ge [sflag:s7], $0x3E80  }
0x31: {  	[sflag:s7] =	ssyncset.done $0x0  }
0x32: {  	[sflag:s7] =	ssyncadd.s32 $0xFFFFC180  }
0x33: {  	_ =	sfence.sel $0x180000  }
0x34: {  	[bflag:$0x0] =	sbarrier.arrive $0xFFFF  }
0x35: {  	p0 =	sne.s32 s1, $0x0;
	_ =	strace $0x90000047  }
0x36: {  	s0 =	sadd.s32 @!p0 $0x100000, s0;
	[bflag:$0x2] =	sbarrier.arrive $0xFFFF  }
0x37: {  	[sflag:s0] =	ssyncadd.tile.s32 @!p0 $0x1;
	_ =	shalt  }
.Lfunc_end2:
_tile_overlayer_lowered:
.L_overlay_start_2:
0x38: {  	(tag) =	ssettag $0x2  }
0x39: {  	s0 =	rddreg [dreg:$0x0];
	s2 =	stileid.u32  }
0x3a: {  	s1 =	rddreg [dreg:$0x1];
	p0 =	sne.s32 s2, $0x0  }
0x3b: {  	s3 =	rddreg [dreg:$0x2];
	[bflag:$0x3] =	sbarrier.arrive $0xFFFF;
	s2 =	simm.s32 @!p0 $0x1C02  }
0x3c: {  	[timem:s3], [sflag:s2] =	dma.local @!p0 [hbm:s0], s1  }
0x3d: {  	s0 =	simm.s32 @!p0 $0x2  }
0x3e: {  	_ =	swait.ge @!p0 [sflag:s0], s1  }
0x3f: {  	s1 =	ssub.s32 @!p0 $0x0, s1;
	[sflag:s0] =	ssyncset.done @!p0 $0x0  }
0x40: {  	[sflag:s0] =	ssyncadd.s32 @!p0 s1  }
0x41: {  	[bflag:$0x3] =	sbarrier.arrive $0xFFFF  }
0x42: {  	_ =	shalt  }

// kernel: sparse-core-data-format-call.cloned.1.call-start
scs
called_computation_lowered:
.L_overlay_start_0:
0x0: {  	s2 =	sld [smem:$0x3FD9]  }
0x1: {  	s3 =	sld [smem:$0x3FFE];
	_ =	sdelay $0x1  }
0x2: {  	s1 =	srdreg.scid  }
0x3: {  	s0 =	sand.u32 $0x1, s1  }
0x4: {  	s18 =	sshll.u32 s0, $0xA;
	s2 =	sadd.s32 s3, s2  }
0x5: {  	s2 =	sadd.s32 s2, s18  }
0x6: {  	[smem:$0x3FC6] =	sst s2  }
0x7: {  	_ = 	snop  }
0x8: {  	s2 =	sld [smem:$0x3FD0];
	(tm) =	ssettm $0x1  }
0x9: {  	s19 =	sld [smem:$0x3FFB];
	_ =	sdelay $0x3  }
0xa: {  	_ =	strace s19  }
0xb: {  	s3 =	sld [smem:$0x3FFC];
	_ =	sdelay $0x3  }
0xc: {  	_ =	strace s3  }
0xd: {  	s3 =	sld [smem:$0x3FFD];
	_ =	sdelay $0x3  }
0xe: {  	_ =	strace s3  }
0xf: {  	_ =	strace $0x8FFFFFFF  }
0x10: {  	s20 =	sld [smem:$0x3FDB];
	_ =	sdelay $0x1  }
0x11: {  	s4 =	simm.s32 $_scs_section_size  }
0x12: {  	s5 =	simm.s32 $_size__tile_overlayer_lowered;
	s6 =	simm.s32 $_tile_overlayer_lowered  }
0x13: {  	s23 =	simm.s32 $0x1BFF;
	s22 =	sshll.u32 s6, $0x1;
	s3 =	sadd.s32 s4, s20  }
0x14: {  	s7 =	simm.s32 $0x0;
	s21 =	sshll.u32 s5, $0x1;
	s5 =	sadd.s32 s22, s3  }
0x15: {  	[timem:s7], [sflag:s23] =	dma.local [hbm:s5], s21  }
0x16: {  	_ =	swait.ge [sflag:s23], s21  }
0x17: {  	s4 =	ssub.s32 $0x0, s21;
	[sflag:s23] =	ssyncset.done $0x0  }
0x18: {  	[sflag:s23] =	ssyncadd.s32 s4;
	_ =	sdelay $0x1  }
0x19: {  	s24 =	simm.s32 $0x1B8B  }
0x1a: {  	_ =	swait.ge [sflag:s24], $0x1  }
0x1b: {  	[sflag:s24] =	ssyncset.done $0x0  }
0x1c: {  	s26 =	simm.s32 $0x1B8E;
	s25 =	sld [smem:$0x3FFE];
	[sflag:s24] =	ssyncadd.s32 $0xFFFFFFFF  }
0x1d: {  	s27 =	simm.s32 $execute0_lowered;
	[smem:$0x3FD2] =	sst s26  }
0x1e: {  	s5 =	sshll.u32 s27, $0x1;
	_ =	strace $0x80000049;
	[dreg:$0x1] =	wrdreg $0xFFFFFFFF  }
0x1f: {  	s28 =	simm.s32 $_size_execute0_lowered;
	s3 =	sadd.s32 s3, s5;
	[dreg:$0x0] =	wrdreg $0x0  }
0x20: {  	s5 =	sshll.u32 s28, $0x1;
	[dreg:$0x2] =	wrdreg s3  }
0x21: {  	[dreg:$0x3] =	wrdreg s5  }
0x22: {  	[dreg:$0x4] =	wrdreg $0xC0  }
0x23: {  	_ =	task [dreg:s7], $0x5FFFF  }
0x24: {  	[dreg:$0x1] =	wrdreg $0xFFFFFFFF  }
0x25: {  	[dreg:$0x0] =	wrdreg $0x60  }
0x26: {  	[dreg:$0x2] =	wrdreg s25  }
0x27: {  	[dreg:$0x3] =	wrdreg s2  }
0x28: {  	[dreg:$0x4] =	wrdreg $0x9  }
0x29: {  	_ =	task.clear_ibuf [dreg:s7], $0x5FFFF;
	_ =	strace $0x90000049  }
0x2a: {  	s29 =	simm.s32 $0x9;
	_ =	strace $0x8000004B  }
0x2b: {  	_ =	swait.ge [sflag:s29], $0x1  }
0x2c: {  	[sflag:s29] =	ssyncadd.s32 $0xFFFFFFFF  }
0x2d: {  	_ =	strace $0x9000004B  }
0x2e: {  	_ =	sfence  }
0x2f: {  	s30 =	sld [smem:$0x0];
	_ =	sdelay $0x2  }
0x30: {  	s31 =	sshll.u32 s1, $0xD;
	s1 =	sshrl.u32 s1, $0x2  }
0x31: {  	s3 =	sand.u32 $0x4000, s31;
	s1 =	sadd.s32 s1, s30  }
0x32: {  	s0 =	sor.u32 s3, s0;
	s1 =	sshll.u32 s1, $0x11  }
0x33: {  	s0 =	sor.u32 s1, s0  }
0x34: {  	s0 =	sadd.s32 $0x8F2B, s0  }
0x35: {  	[sflag:s0] =	ssyncadd.remote.s32 $0x1  }
0x36: {  	_ =	sfence.sel $0xFFFF  }
0x37: {  	[dreg:$0x0] =	wrdreg $0xFFFFFFFF;
	(pc) =	sbr.abs _section_cstart, $3  }
0x38: {  	[dreg:$0x1] =	wrdreg $0xFFFFFFFF  }
0x39: {  	_ =	task.clear_ibuf [dreg:s7], $0x2FFFF;
	_ =	strace $0x9FFFFFFF  }
0x3a: {  	(tm) =	ssettm $0x7FFFFFFF  }
0x3b: {  	_ =	shalt  }
tec
execute0_lowered:
.L_overlay_start_1:
0x0: {  	(tag) =	ssettag $0x1  }
0x1: {  	s0 =	srdreg.scid  }
0x2: {  	s1 =	sshll.u32 s0, $0x4  }
0x3: {  	s4 =	rddreg [dreg:$0x0];
	s0 =	stileid.u32;
	s1 =	sand.u32 $0x10, s1  }
0x4: {  	s2 =	rddreg [dreg:$0x1];
	s7 =	simm.s32 $0x1;
	s1 =	sor.u32 s0, s1  }
0x5: {  	s8 =	simm.s32 $0x2;
	s11 =	simm.s32 $0x0;
	s3 =	sshll.u32 s1, $0x7  }
0x6: {  	s10 =	simm.s32 $0x0;
	s4 =	sadd.s32 $0x800, s4;
	s6 =	ssub.s32 $0xC3500, s3  }
.Ltmp0:
0x7: {  	s1 =	rddreg [dreg:$0x2];
	s5 =	sand.u32 $0xF80, s6;
	(pc) =	sbr.rel .LBB1_1-.Ltmp0, $4  }
0x8: {  	_ =	strace $0x8000004A;
	s9 =	smov.u32 s3;
	p0 =	sne.s32 s5, $0x0  }
0x9: {  	s6 =	sshrl.u32 s6, $0xC;
	s5 =	simm.s32 $0x1;
	s7 =	simm.s32 @!p0 $0x0  }
0xa: {  	[sflag:s5] =	ssyncpa.u1 $0x0;
	p0 =	por $0x0, $0x0;
	s6 =	sadd.s32 s7, s6  }
0xb: {  	[sflag:s8] =	ssyncpa.u1 $0x0;
	s8 =	simm.s32 $0x61A800;
	s7 =	sadd.s32 $0x1, s6  }
.LBB1_4:
0xc: {  	s14 =	sshll.u32 s11, $0x3  }
0xd: {  	s14 =	sand.u32 $0xFFFFFC00, s14  }
0xe: {  	s15 =	sshrl.u32 s14, $0x8  }
0xf: {  	s15 =	smulhi.u32 $0x14F8B59, s15;
	_ =	sdelay $0x1  }
0x10: {  	s15 =	sshrl.u32 s15, $0x4  }
0x11: {  	s28 =	sand.u32 $0x7F, s11;
	s16 =	smul.u32 $0xC3500, s15  }
0x12: {  	[tilespmem:s12+$0xFFFFFFFC ss:$0x81] =	vst.msk $0xffff, v0;
	s11 =	sor.u32 s28, s14  }
0x13: {  	[tilespmem:s12+$0xFFFFFFFD ss:$0x81] =	vst.msk $0xffff, v3;
	s29 =	sand.u32 $0xF, s15;
	s11 =	ssub.s32 s11, s16  }
0x14: {  	[tilespmem:s12+$0xFFFFFFFE ss:$0x81] =	vst.msk $0xffff, v1;
	s14 =	smul.u32 $0x186A0, s29;
	s30 =	sshrl.u32 s11, $0x3;
	s11 =	sand.u32 $0x7, s11  }
0x15: {  	[tilespmem:s12+$0xFFFFFFFF ss:$0x81] =	vst.msk $0xffff, v4;
	s15 =	sadd.s32 s2, s30;
	s11 =	sshll.u32 s11, $0x12  }
0x16: {  	[tilespmem:s12+$0xFFFFFFF9 ss:$0x81] =	vst.msk $0xffff, v2;
	s31 =	sadd.s32 s14, s15;
	s11 =	sor.u32 $0x400, s11  }
0x17: {  	[hbm4b:s31+s11] =	stream.strided.scatter [tilespmem:s13], [sflag:$0x2], $0x800, s8, s11, $0x20;
	[tilespmem:$0x2020] =	vst v63  }
.LBB1_5:
0x18: {  	s13 =	sadd.s32 $0x1000, s9  }
0x19: {  	p2 =	sgt.s32 s13, $0xC34FF  }
0x1a: {  	s13 =	smov.u32 @p2 s3;
	p2 =	sne.s32 s10, s7  }
.Ltmp1:
0x1b: {  	p1 =	slt.u32 s10, $0x2;
	(pc) =	sbr.rel @!p2 .LBB1_6-.Ltmp1, $4  }
0x1c: {  	s12 =	simm.s32 @!p1 $0x2  }
0x1d: {  	s14 =	sadd.s32 $0x1, s10;
	_ =	swait.ge @!p1 [sflag:s12], $0x800  }
0x1e: {  	s11 =	smov.u32 s9;
	p0 =	por !p0, !p0;
	[sflag:s12] =	ssyncset.done @!p1 $0x0  }
0x1f: {  	s10 =	smov.u32 s14;
	s9 =	smov.u32 s13;
	[sflag:s12] =	ssyncadd.s32 @!p1 $0xFFFFF800  }
.LBB1_1:
0x20: {  	p1 =	sge.u32 s10, s6  }
0x21: {  	s12 =	sand.u32 @!p1 $0x1FFFFFF, s9  }
0x22: {  	s13 =	smulhi.u32 @!p1 $0x14F8B59, s12;
	_ =	sdelay $0x1  }
0x23: {  	s13 =	sshrl.u32 @!p1 s13, $0xC  }
0x24: {  	s13 =	smul.u32 @!p1 $0xC3500, s13;
	_ =	sdelay $0x1  }
0x25: {  	s31 =	sadd.s32 $0xFFFFFFFF, s10;
	s14 =	sxor.u32 @!p1 $0xFFFFFFFF, s10;
	s12 =	ssub.s32 @!p1 s12, s13  }
0x26: {  	s15 =	simm.s32 @!p1 $0x80;
	s14 =	sshll.u32 @!p1 s14, $0xB;
	s12 =	sshll.u32 @!p1 s12, $0x4  }
0x27: {  	s13 =	sand.u32 @!p1 $0x800, s14;
	s14 =	simm.s32 @!p1 $0x10;
	s12 =	sadd.s32 @!p1 s4, s12  }
0x28: {  	[tilespmem:s13], [sflag:$0x1] =	stream.strided.gather @!p1 [hbm4b:s12+s14], $0x800, s15, s14, $0x38;
	[tilespmem:$0x2020] =	vst v63  }
0x29: {  	p1 =	sge.u32 s31, s6  }
.Ltmp2:
0x2a: {  	_ = 	snop;
	(pc) =	sbr.rel @p1 .LBB1_5-.Ltmp2, $1  }
0x2b: {  	_ =	sdelay $0x3  }
0x2c: {  	s12 =	simm.s32 $0x1  }
0x2d: {  	_ =	swait.ge [sflag:s5], $0x800;
	s12 =	simm.s32 @!p0 $0x0  }
0x2e: {  	[sflag:s5] =	ssyncset.done $0x0;
	s13 =	sshll.u32 s12, $0xB  }
0x2f: {  	[sflag:s5] =	ssyncadd.s32 $0xFFFFF800;
	s15 =	sor.u32 $0x40, s13  }
0x30: {  	v2 =	vld [tilespmem:s15+$0x30]  }
0x31: {  	s12 =	smul.u32 $0x2040, s12;
	v4 =	vld [tilespmem:s15+$0xFFFFFFD0]  }
0x32: {  	v5 =	vld [tilespmem:s15+$0xFFFFFFE0]  }
0x33: {  	s31 =	sand.u32 $0x1, s10;
	s12 =	sshrl.u32 s12, $0x2;
	v0 =	vld [tilespmem:s15+$0xFFFFFFF0]  }
0x34: {  	s13 =	smul.u32 $0x2040, s31;
	v3 =	vld [tilespmem:s15+$0x0];
	s12 =	sor.u32 $0x1007, s12  }
0x35: {  	v1 =	vld [tilespmem:s15+$0x10];
	[tilespmem:s12+$0x0 ss:$0x81] =	vst.msk $0xffff, v2  }
0x36: {  	s13 =	sshrl.u32 s13, $0x2;
	[tilespmem:s12+$0xFFFFFFFA ss:$0x81] =	vst.msk $0xffff, v4;
	v4 =	vld [tilespmem:s15+$0x20]  }
0x37: {  	s14 =	simm.s32 $0x0;
	s13 =	sor.u32 $0x1000, s13;
	v2 =	vld [tilespmem:s15+$0xFFFFFFC0];
	[tilespmem:s12+$0xFFFFFFFB ss:$0x81] =	vst.msk $0xffff, v5;
	s15 =	sadd.s32 $0x80, s15  }
.LBB1_3:
0x38: {  	v5 =	vld [tilespmem:s15+$0x30];
	s14 =	sadd.s32 $0x8, s14;
	[tilespmem:s12+$0xFFFFFFFC ss:$0x81] =	vst.msk $0xffff, v0  }
0x39: {  	v6 =	vld [tilespmem:s15+$0xFFFFFFD0];
	p1 =	slt.u32 s14, $0x78;
	[tilespmem:s12+$0xFFFFFFFD ss:$0x81] =	vst.msk $0xffff, v3  }
0x3a: {  	v7 =	vld [tilespmem:s15+$0xFFFFFFE0];
	[tilespmem:s12+$0xFFFFFFFE ss:$0x81] =	vst.msk $0xffff, v1  }
.Ltmp3:
0x3b: {  	v0 =	vld [tilespmem:s15+$0xFFFFFFF0];
	[tilespmem:s12+$0xFFFFFFFF ss:$0x81] =	vst.msk $0xffff, v4;
	(pc) =	sbr.rel @p1 .LBB1_3-.Ltmp3, $4  }
0x3c: {  	v3 =	vld [tilespmem:s15+$0x0];
	[tilespmem:s12+$0xFFFFFFF9 ss:$0x81] =	vst.msk $0xffff, v2;
	s12 =	sadd.s32 $0x8, s12  }
0x3d: {  	v1 =	vld [tilespmem:s15+$0x10];
	[tilespmem:s12+$0x0 ss:$0x81] =	vst.msk $0xffff, v5  }
0x3e: {  	[tilespmem:s12+$0xFFFFFFFA ss:$0x81] =	vst.msk $0xffff, v6;
	v4 =	vld [tilespmem:s15+$0x20]  }
0x3f: {  	v2 =	vld [tilespmem:s15+$0xFFFFFFC0];
	[tilespmem:s12+$0xFFFFFFFB ss:$0x81] =	vst.msk $0xffff, v7;
	s15 =	sadd.s32 $0x80, s15  }
.Ltmp4:
0x40: {  	_ = 	snop;
	(pc) =	sbr.rel .LBB1_4-.Ltmp4, $1  }
0x41: {  	_ =	sdelay $0x3  }
.LBB1_6:
0x42: {  	_ =	sfence.sel $0x180000  }
0x43: {  	s2 =	simm.s32 $0x1;
	[bflag:$0x0] =	sbarrier.arrive $0xFFFF  }
0x44: {  	s31 =	simm.s32 $0x2;
	[sflag:s2] =	ssyncpa.u1 $0x1  }
0x45: {  	[sflag:s31] =	ssyncpa.u1 $0x1  }
0x46: {  	p0 =	sne.s32 s0, $0x0;
	_ =	strace $0x9000004A  }
0x47: {  	s0 =	sadd.s32 @!p0 $0x100000, s1;
	[bflag:$0x2] =	sbarrier.arrive $0xFFFF  }
0x48: {  	[sflag:s0] =	ssyncadd.tile.s32 @!p0 $0x1;
	_ =	shalt  }
.Lfunc_end1:
_tile_overlayer_lowered:
.L_overlay_start_2:
0x49: {  	(tag) =	ssettag $0x2  }
0x4a: {  	s0 =	rddreg [dreg:$0x0];
	s2 =	stileid.u32  }
0x4b: {  	s1 =	rddreg [dreg:$0x1];
	p0 =	sne.s32 s2, $0x0  }
0x4c: {  	s3 =	rddreg [dreg:$0x2];
	[bflag:$0x3] =	sbarrier.arrive $0xFFFF;
	s2 =	simm.s32 @!p0 $0x1C01  }
0x4d: {  	[timem:s3], [sflag:s2] =	dma.local @!p0 [hbm:s0], s1  }
0x4e: {  	s0 =	simm.s32 @!p0 $0x1  }
0x4f: {  	_ =	swait.ge @!p0 [sflag:s0], s1  }
0x50: {  	s1 =	ssub.s32 @!p0 $0x0, s1;
	[sflag:s0] =	ssyncset.done @!p0 $0x0  }
0x51: {  	[sflag:s0] =	ssyncadd.s32 @!p0 s1  }
0x52: {  	[bflag:$0x3] =	sbarrier.arrive $0xFFFF  }
0x53: {  	_ =	shalt  }

</sc_bundles>
